<compile_context>
chip_gen: v7x
topology: tpu7x:2x2x1
jax: 0.10.2.dev20260603
libtpu: 0.0.44.dev20260713+nightly
codegen_flags: <defaults>
</compile_context>

<pallas_src>
import functools

import jax
import jax.numpy as jnp
from jax.experimental import pallas as pl

N_SHELVES = 50
PACK = 8
E = 32
LANES = PACK * E


def _leaky(x):
    return jnp.where(x > 0, x, 0.01 * x)


def _fused_body(s8_ref, x8_ref, bcast_ref, w1_ref, w2_ref, b1_ref, b2_ref,
                out_ref):
    sb = s8_ref[...].astype(jnp.float32) @ bcast_ref[...]
    vm = sb == float(N_SHELVES)
    x8 = x8_ref[...]
    pre_v = x8 @ w1_ref[0] + b1_ref[0:1, :]
    pre_s = x8 @ w1_ref[1] + b1_ref[1:2, :]
    h = _leaky(jnp.where(vm, pre_v, pre_s))
    o_v = h @ w2_ref[0] + b2_ref[0:1, :]
    o_s = h @ w2_ref[1] + b2_ref[1:2, :]
    out_ref[...] = _leaky(jnp.where(vm, o_v, o_s))


@functools.partial(jax.jit, static_argnames=())
def kernel(state, x, vw1, vb1, vw2, vb2, sw1, sb1, sw2, sb2):
    B, NV, FEAT = x.shape
    M = B * NV
    R = M // PACK

    x8 = x.reshape(R, LANES)
    s8 = state.reshape(R, PACK)

    eye = jnp.eye(PACK, dtype=jnp.float32)
    w1v = jnp.zeros((FEAT, E), jnp.float32).at[0, :].set(vw1[0])
    w1 = jnp.stack([jnp.kron(eye, w1v), jnp.kron(eye, sw1)])
    w2 = jnp.stack([jnp.kron(eye, vw2), jnp.kron(eye, sw2)])
    b1 = jnp.stack([jnp.tile(vb1, PACK), jnp.tile(sb1, PACK)])
    b2 = jnp.stack([jnp.tile(vb2, PACK), jnp.tile(sb2, PACK)])
    bcast = jnp.kron(eye, jnp.ones((1, E), jnp.float32))

    T = 1024
    grid = (R // T,)

    out8 = pl.pallas_call(
        _fused_body,
        grid=grid,
        in_specs=[
            pl.BlockSpec((T, PACK), lambda i: (i, 0)),
            pl.BlockSpec((T, LANES), lambda i: (i, 0)),
            pl.BlockSpec((PACK, LANES), lambda i: (0, 0)),
            pl.BlockSpec((2, LANES, LANES), lambda i: (0, 0, 0)),
            pl.BlockSpec((2, LANES, LANES), lambda i: (0, 0, 0)),
            pl.BlockSpec((2, LANES), lambda i: (0, 0)),
            pl.BlockSpec((2, LANES), lambda i: (0, 0)),
        ],
        out_specs=pl.BlockSpec((T, LANES), lambda i: (i, 0)),
        out_shape=jax.ShapeDtypeStruct((R, LANES), jnp.float32),
    )(s8, x8, bcast, w1, w2, b1, b2)

    return out8.reshape(B, NV, E)

# --- scband reference (transcript-rebuilt; emitter-appended) ---
"""Pipeline reference for scband-vacancy-mlp-29746943492594 (READ-ONLY COPY).

The authoritative reference and input builder live on the scoring server;
editing this copy changes nothing except your own understanding.
"""

import jax, jax.numpy as jnp
import numpy as np

N_SHELVES = 50
B, NV = 8192, 200
INPUT_DIM, EMBED_DIM = 31, 32
FEAT = 1 + INPUT_DIM


def _leaky(x):
    return jnp.where(x > 0, x, 0.01 * x)


def setup_inputs(seed: int = 0) -> dict:
    key = jax.random.key(seed)
    ks = jax.random.split(key, 10)
    state = jax.random.randint(ks[0], (B, NV, 1), 0, N_SHELVES + 1, dtype=jnp.int32)
    x = jax.random.normal(ks[1], (B, NV, FEAT), dtype=jnp.float32)
    vw1 = jax.random.normal(ks[2], (1, EMBED_DIM), dtype=jnp.float32)
    vb1 = jnp.zeros((EMBED_DIM,), dtype=jnp.float32)
    vw2 = jax.random.normal(ks[3], (EMBED_DIM, EMBED_DIM), dtype=jnp.float32) / np.sqrt(EMBED_DIM)
    vb2 = jnp.zeros((EMBED_DIM,), dtype=jnp.float32)
    sw1 = jax.random.normal(ks[4], (FEAT, EMBED_DIM), dtype=jnp.float32) / np.sqrt(FEAT)
    sb1 = jnp.zeros((EMBED_DIM,), dtype=jnp.float32)
    sw2 = jax.random.normal(ks[5], (EMBED_DIM, EMBED_DIM), dtype=jnp.float32) / np.sqrt(EMBED_DIM)
    sb2 = jnp.zeros((EMBED_DIM,), dtype=jnp.float32)
    return {"state": state, "x": x, "vw1": vw1, "vb1": vb1, "vw2": vw2, "vb2": vb2, "sw1": sw1, "sb1": sb1, "sw2": sw2, "sb2": sb2}


def reference(state, x, vw1, vb1, vw2, vb2, sw1, sb1, sw2, sb2):
    # state: [B, Nv, 1] -> squeeze(-1)
    s = state[..., 0]
    is_vacancy = (s == N_SHELVES)  # [B, Nv]
    # vacancy branch uses only the first feature channel
    v_feat = x[..., :1]
    v_out = _leaky(_leaky(v_feat @ vw1 + vb1) @ vw2 + vb2)
    # shelf branch uses full feature vector
    s_out = _leaky(_leaky(x @ sw1 + sb1) @ sw2 + sb2)
    # scatter-overwrite into zeros buffer: every (b, n) is written by exactly
    # one branch, equivalent to a masked select
    out = jnp.where(is_vacancy[..., None], v_out, s_out)
    return out

if __name__ == "__main__":
    import jax
    _d = setup_inputs()
    print(jax.jit(kernel)(*tuple(_d.values())))

</pallas_src>

<mosaic_0001>
module attributes {stable_mosaic.version = 14 : i64} {
  func.func @_fused_body(%arg0: i32, %arg1: memref<1024x8xi32, #tpu.memory_space<vmem>>, %arg2: memref<1024x256xf32, #tpu.memory_space<vmem>>, %arg3: memref<8x256xf32, #tpu.memory_space<vmem>>, %arg4: memref<2x256x256xf32, #tpu.memory_space<vmem>>, %arg5: memref<2x256x256xf32, #tpu.memory_space<vmem>>, %arg6: memref<2x256xf32, #tpu.memory_space<vmem>>, %arg7: memref<2x256xf32, #tpu.memory_space<vmem>>, %arg8: memref<1024x256xf32, #tpu.memory_space<vmem>>) attributes {dimension_semantics = [#tpu.dimension_semantics<arbitrary>], iteration_bounds = array<i64: 200>, scalar_prefetch = 0 : i64, scratch_operands = 0 : i64, tpu.core_type = #tpu.core_type<tc>, window_params = [{transform_indices = @transform_0, window_bounds = array<i64: 1024, 8>}, {transform_indices = @transform_1, window_bounds = array<i64: 1024, 256>}, {pipeline_mode = #tpu.pipeline_mode<synchronous>, transform_indices = @transform_2, window_bounds = array<i64: 8, 256>}, {pipeline_mode = #tpu.pipeline_mode<synchronous>, transform_indices = @transform_3, window_bounds = array<i64: 2, 256, 256>}, {pipeline_mode = #tpu.pipeline_mode<synchronous>, transform_indices = @transform_4, window_bounds = array<i64: 2, 256, 256>}, {pipeline_mode = #tpu.pipeline_mode<synchronous>, transform_indices = @transform_5, window_bounds = array<i64: 2, 256>}, {pipeline_mode = #tpu.pipeline_mode<synchronous>, transform_indices = @transform_6, window_bounds = array<i64: 2, 256>}, {transform_indices = @transform_7, window_bounds = array<i64: 1024, 256>}]} {
    %get3A = arith.constant 0 : index
    %get3A_0 = arith.constant 0 : index
    %get3A_1 = vector.load %arg1[%get3A, %get3A_0] : memref<1024x8xi32, #tpu.memory_space<vmem>>, vector<1024x8xi32>
    %convert_element_type3A = arith.sitofp %get3A_1 : vector<1024x8xi32> to vector<1024x8xf32>
    %get3A_2 = arith.constant 0 : index
    %get3A_3 = arith.constant 0 : index
    %get3A_4 = vector.load %arg3[%get3A_2, %get3A_3] : memref<8x256xf32, #tpu.memory_space<vmem>>, vector<8x256xf32>
    %dot_general3A = arith.constant dense<0.000000e+00> : vector<1024x256xf32>
    %dot_general3A_5 = tpu.matmul %convert_element_type3A, %get3A_4, %dot_general3A {dimension_numbers = #tpu.dot_dimension_numbers<[1], [0], [0], [1], [0, 0, 1, 1], [], []>, transpose_lhs_hint = false} : vector<1024x8xf32>, vector<8x256xf32>, vector<1024x256xf32> -> vector<1024x256xf32>
    %eq3A = arith.constant 5.000000e+01 : f32
    %eq3A_6 = vector.broadcast %eq3A : f32 to vector<1024x256xf32>
    %eq3A_7 = arith.cmpf oeq, %dot_general3A_5, %eq3A_6 : vector<1024x256xf32>
    %get3A_8 = arith.constant 0 : index
    %get3A_9 = arith.constant 0 : index
    %get3A_10 = vector.load %arg2[%get3A_8, %get3A_9] : memref<1024x256xf32, #tpu.memory_space<vmem>>, vector<1024x256xf32>
    %get3A_11 = arith.constant 0 : index
    %get3A_12 = arith.constant 0 : index
    %get3A_13 = arith.constant 0 : index
    %get3A_14 = vector.load %arg4[%get3A_11, %get3A_12, %get3A_13] : memref<2x256x256xf32, #tpu.memory_space<vmem>>, vector<1x256x256xf32>
    %get3A_15 = vector.shape_cast %get3A_14 : vector<1x256x256xf32> to vector<256x256xf32>
    %dot_general3A_16 = arith.constant dense<0.000000e+00> : vector<1024x256xf32>
    %dot_general3A_17 = tpu.matmul %get3A_10, %get3A_15, %dot_general3A_16 {dimension_numbers = #tpu.dot_dimension_numbers<[1], [0], [0], [1], [0, 0, 1, 1], [], []>, transpose_lhs_hint = false} : vector<1024x256xf32>, vector<256x256xf32>, vector<1024x256xf32> -> vector<1024x256xf32>
    %get3A_18 = arith.constant 0 : index
    %get3A_19 = arith.constant 0 : index
    %get3A_20 = vector.load %arg6[%get3A_18, %get3A_19] : memref<2x256xf32, #tpu.memory_space<vmem>>, vector<1x256xf32>
    %add3A = vector.broadcast %get3A_20 : vector<1x256xf32> to vector<1024x256xf32>
    %add3A_21 = arith.addf %dot_general3A_17, %add3A : vector<1024x256xf32>
    %get3A_22 = arith.constant 1 : index
    %get3A_23 = arith.constant 0 : index
    %get3A_24 = arith.constant 0 : index
    %get3A_25 = vector.load %arg4[%get3A_22, %get3A_23, %get3A_24] : memref<2x256x256xf32, #tpu.memory_space<vmem>>, vector<1x256x256xf32>
    %get3A_26 = vector.shape_cast %get3A_25 : vector<1x256x256xf32> to vector<256x256xf32>
    %dot_general3A_27 = arith.constant dense<0.000000e+00> : vector<1024x256xf32>
    %dot_general3A_28 = tpu.matmul %get3A_10, %get3A_26, %dot_general3A_27 {dimension_numbers = #tpu.dot_dimension_numbers<[1], [0], [0], [1], [0, 0, 1, 1], [], []>, transpose_lhs_hint = false} : vector<1024x256xf32>, vector<256x256xf32>, vector<1024x256xf32> -> vector<1024x256xf32>
    %get3A_29 = arith.constant 1 : index
    %get3A_30 = arith.constant 0 : index
    %get3A_31 = vector.load %arg6[%get3A_29, %get3A_30] : memref<2x256xf32, #tpu.memory_space<vmem>>, vector<1x256xf32>
    %add3A_32 = vector.broadcast %get3A_31 : vector<1x256xf32> to vector<1024x256xf32>
    %add3A_33 = arith.addf %dot_general3A_28, %add3A_32 : vector<1024x256xf32>
    %select_n3A = arith.select %eq3A_7, %add3A_21, %add3A_33 : vector<1024x256xi1>, vector<1024x256xf32>
    %gt3A = arith.constant 0.000000e+00 : f32
    %gt3A_34 = vector.broadcast %gt3A : f32 to vector<1024x256xf32>
    %gt3A_35 = arith.cmpf ogt, %select_n3A, %gt3A_34 : vector<1024x256xf32>
    %mul3A = arith.constant 0.00999999977 : f32
    %mul3A_36 = vector.broadcast %mul3A : f32 to vector<1024x256xf32>
    %mul3A_37 = arith.mulf %mul3A_36, %select_n3A : vector<1024x256xf32>
    %select_n3A_38 = arith.select %gt3A_35, %select_n3A, %mul3A_37 : vector<1024x256xi1>, vector<1024x256xf32>
    %get3A_39 = arith.constant 0 : index
    %get3A_40 = arith.constant 0 : index
    %get3A_41 = arith.constant 0 : index
    %get3A_42 = vector.load %arg5[%get3A_39, %get3A_40, %get3A_41] : memref<2x256x256xf32, #tpu.memory_space<vmem>>, vector<1x256x256xf32>
    %get3A_43 = vector.shape_cast %get3A_42 : vector<1x256x256xf32> to vector<256x256xf32>
    %dot_general3A_44 = arith.constant dense<0.000000e+00> : vector<1024x256xf32>
    %dot_general3A_45 = tpu.matmul %select_n3A_38, %get3A_43, %dot_general3A_44 {dimension_numbers = #tpu.dot_dimension_numbers<[1], [0], [0], [1], [0, 0, 1, 1], [], []>, transpose_lhs_hint = false} : vector<1024x256xf32>, vector<256x256xf32>, vector<1024x256xf32> -> vector<1024x256xf32>
    %get3A_46 = arith.constant 0 : index
    %get3A_47 = arith.constant 0 : index
    %get3A_48 = vector.load %arg7[%get3A_46, %get3A_47] : memref<2x256xf32, #tpu.memory_space<vmem>>, vector<1x256xf32>
    %add3A_49 = vector.broadcast %get3A_48 : vector<1x256xf32> to vector<1024x256xf32>
    %add3A_50 = arith.addf %dot_general3A_45, %add3A_49 : vector<1024x256xf32>
    %get3A_51 = arith.constant 1 : index
    %get3A_52 = arith.constant 0 : index
    %get3A_53 = arith.constant 0 : index
    %get3A_54 = vector.load %arg5[%get3A_51, %get3A_52, %get3A_53] : memref<2x256x256xf32, #tpu.memory_space<vmem>>, vector<1x256x256xf32>
    %get3A_55 = vector.shape_cast %get3A_54 : vector<1x256x256xf32> to vector<256x256xf32>
    %dot_general3A_56 = arith.constant dense<0.000000e+00> : vector<1024x256xf32>
    %dot_general3A_57 = tpu.matmul %select_n3A_38, %get3A_55, %dot_general3A_56 {dimension_numbers = #tpu.dot_dimension_numbers<[1], [0], [0], [1], [0, 0, 1, 1], [], []>, transpose_lhs_hint = false} : vector<1024x256xf32>, vector<256x256xf32>, vector<1024x256xf32> -> vector<1024x256xf32>
    %get3A_58 = arith.constant 1 : index
    %get3A_59 = arith.constant 0 : index
    %get3A_60 = vector.load %arg7[%get3A_58, %get3A_59] : memref<2x256xf32, #tpu.memory_space<vmem>>, vector<1x256xf32>
    %add3A_61 = vector.broadcast %get3A_60 : vector<1x256xf32> to vector<1024x256xf32>
    %add3A_62 = arith.addf %dot_general3A_57, %add3A_61 : vector<1024x256xf32>
    %select_n3A_63 = arith.select %eq3A_7, %add3A_50, %add3A_62 : vector<1024x256xi1>, vector<1024x256xf32>
    %gt3A_64 = arith.constant 0.000000e+00 : f32
    %gt3A_65 = vector.broadcast %gt3A_64 : f32 to vector<1024x256xf32>
    %gt3A_66 = arith.cmpf ogt, %select_n3A_63, %gt3A_65 : vector<1024x256xf32>
    %mul3A_67 = arith.constant 0.00999999977 : f32
    %mul3A_68 = vector.broadcast %mul3A_67 : f32 to vector<1024x256xf32>
    %mul3A_69 = arith.mulf %mul3A_68, %select_n3A_63 : vector<1024x256xf32>
    %select_n3A_70 = arith.select %gt3A_66, %select_n3A_63, %mul3A_69 : vector<1024x256xi1>, vector<1024x256xf32>
    %swap3A = arith.constant 0 : index
    %swap3A_71 = arith.constant 0 : index
    %swap3A_72 = vector.load %arg8[%swap3A, %swap3A_71] : memref<1024x256xf32, #tpu.memory_space<vmem>>, vector<1024x256xf32>
    tpu.vector_store %arg8[%swap3A, %swap3A_71], %select_n3A_70 {strides = array<i32>} : memref<1024x256xf32, #tpu.memory_space<vmem>>, vector<1024x256xf32>,
    return
  }
  func.func @transform_0(%arg0: i32) -> (i32, i32) {
    %c0_i32 = arith.constant 0 : i32
    %c0_i32_0 = arith.constant 0 : i32
    return %arg0, %c0_i32 : i32, i32
  }
  func.func @transform_1(%arg0: i32) -> (i32, i32) {
    %c0_i32 = arith.constant 0 : i32
    %c0_i32_0 = arith.constant 0 : i32
    return %arg0, %c0_i32 : i32, i32
  }
  func.func @transform_2(%arg0: i32) -> (i32, i32) {
    %c0_i32 = arith.constant 0 : i32
    %c0_i32_0 = arith.constant 0 : i32
    %c0_i32_1 = arith.constant 0 : i32
    return %c0_i32, %c0_i32_0 : i32, i32
  }
  func.func @transform_3(%arg0: i32) -> (i32, i32, i32) {
    %c0_i32 = arith.constant 0 : i32
    %c0_i32_0 = arith.constant 0 : i32
    %c0_i32_1 = arith.constant 0 : i32
    %c0_i32_2 = arith.constant 0 : i32
    return %c0_i32, %c0_i32_0, %c0_i32_1 : i32, i32, i32
  }
  func.func @transform_4(%arg0: i32) -> (i32, i32, i32) {
    %c0_i32 = arith.constant 0 : i32
    %c0_i32_0 = arith.constant 0 : i32
    %c0_i32_1 = arith.constant 0 : i32
    %c0_i32_2 = arith.constant 0 : i32
    return %c0_i32, %c0_i32_0, %c0_i32_1 : i32, i32, i32
  }
  func.func @transform_5(%arg0: i32) -> (i32, i32) {
    %c0_i32 = arith.constant 0 : i32
    %c0_i32_0 = arith.constant 0 : i32
    %c0_i32_1 = arith.constant 0 : i32
    return %c0_i32, %c0_i32_0 : i32, i32
  }
  func.func @transform_6(%arg0: i32) -> (i32, i32) {
    %c0_i32 = arith.constant 0 : i32
    %c0_i32_0 = arith.constant 0 : i32
    %c0_i32_1 = arith.constant 0 : i32
    return %c0_i32, %c0_i32_0 : i32, i32
  }
  func.func @transform_7(%arg0: i32) -> (i32, i32) {
    %c0_i32 = arith.constant 0 : i32
    %c0_i32_0 = arith.constant 0 : i32
    return %arg0, %c0_i32 : i32, i32
  }
}

</mosaic_0001>

<sc_bundles>
// kernel: sparse-core-data-format-call.cloned.1.call-start
scs
called_computation_lowered:
.L_overlay_start_0:
0x0: {  	s2 =	sld [smem:$0x3FD9]  }
0x1: {  	s3 =	sld [smem:$0x3FFE];
	_ =	sdelay $0x1  }
0x2: {  	s1 =	srdreg.scid  }
0x3: {  	s0 =	sand.u32 $0x1, s1  }
0x4: {  	s18 =	sshll.u32 s0, $0xA;
	s2 =	sadd.s32 s3, s2  }
0x5: {  	s2 =	sadd.s32 s2, s18  }
0x6: {  	[smem:$0x3FBE] =	sst s2  }
0x7: {  	_ = 	snop  }
0x8: {  	s2 =	sld [smem:$0x3FD0];
	(tm) =	ssettm $0x1  }
0x9: {  	s19 =	sld [smem:$0x3FFB];
	_ =	sdelay $0x3  }
0xa: {  	_ =	strace s19  }
0xb: {  	s3 =	sld [smem:$0x3FFC];
	_ =	sdelay $0x3  }
0xc: {  	_ =	strace s3  }
0xd: {  	s3 =	sld [smem:$0x3FFD];
	_ =	sdelay $0x3  }
0xe: {  	_ =	strace s3  }
0xf: {  	_ =	strace $0x8FFFFFFF  }
0x10: {  	s20 =	sld [smem:$0x3FDB];
	_ =	sdelay $0x1  }
0x11: {  	s4 =	simm.s32 $_scs_section_size  }
0x12: {  	s5 =	simm.s32 $_size__tile_overlayer_lowered;
	s6 =	simm.s32 $_tile_overlayer_lowered  }
0x13: {  	s23 =	simm.s32 $0x1BFF;
	s22 =	sshll.u32 s6, $0x1;
	s3 =	sadd.s32 s4, s20  }
0x14: {  	s7 =	simm.s32 $0x0;
	s21 =	sshll.u32 s5, $0x1;
	s5 =	sadd.s32 s22, s3  }
0x15: {  	[timem:s7], [sflag:s23] =	dma.local [hbm:s5], s21  }
0x16: {  	_ =	swait.ge [sflag:s23], s21  }
0x17: {  	s4 =	ssub.s32 $0x0, s21;
	[sflag:s23] =	ssyncset.done $0x0  }
0x18: {  	[sflag:s23] =	ssyncadd.s32 s4;
	_ =	sdelay $0x1  }
0x19: {  	s24 =	simm.s32 $0x1B8B  }
0x1a: {  	_ =	swait.ge [sflag:s24], $0x1  }
0x1b: {  	[sflag:s24] =	ssyncset.done $0x0  }
0x1c: {  	s26 =	simm.s32 $0x1B8E;
	s25 =	sld [smem:$0x3FFE];
	[sflag:s24] =	ssyncadd.s32 $0xFFFFFFFF  }
0x1d: {  	s27 =	simm.s32 $execute0_lowered;
	[smem:$0x3FD2] =	sst s26  }
0x1e: {  	s5 =	sshll.u32 s27, $0x1;
	_ =	strace $0x80000046;
	[dreg:$0x1] =	wrdreg $0xFFFFFFFF  }
0x1f: {  	s28 =	simm.s32 $_size_execute0_lowered;
	s3 =	sadd.s32 s3, s5;
	[dreg:$0x0] =	wrdreg $0x0  }
0x20: {  	s5 =	sshll.u32 s28, $0x1;
	[dreg:$0x2] =	wrdreg s3  }
0x21: {  	[dreg:$0x3] =	wrdreg s5  }
0x22: {  	[dreg:$0x4] =	wrdreg $0xC0  }
0x23: {  	_ =	task [dreg:s7], $0x5FFFF  }
0x24: {  	[dreg:$0x1] =	wrdreg $0xFFFFFFFF  }
0x25: {  	[dreg:$0x0] =	wrdreg $0x60  }
0x26: {  	[dreg:$0x2] =	wrdreg s25  }
0x27: {  	[dreg:$0x3] =	wrdreg s2  }
0x28: {  	[dreg:$0x4] =	wrdreg $0x9  }
0x29: {  	_ =	task.clear_ibuf [dreg:s7], $0x5FFFF;
	_ =	strace $0x90000046  }
0x2a: {  	s29 =	simm.s32 $0x9;
	_ =	strace $0x80000048  }
0x2b: {  	_ =	swait.ge [sflag:s29], $0x1  }
0x2c: {  	[sflag:s29] =	ssyncadd.s32 $0xFFFFFFFF  }
0x2d: {  	_ =	strace $0x90000048  }
0x2e: {  	_ =	sfence  }
0x2f: {  	s30 =	sld [smem:$0x0];
	_ =	sdelay $0x2  }
0x30: {  	s31 =	sshll.u32 s1, $0xD;
	s1 =	sshrl.u32 s1, $0x2  }
0x31: {  	s3 =	sand.u32 $0x4000, s31;
	s1 =	sadd.s32 s1, s30  }
0x32: {  	s0 =	sor.u32 s3, s0;
	s1 =	sshll.u32 s1, $0x11  }
0x33: {  	s0 =	sor.u32 s1, s0  }
0x34: {  	s0 =	sadd.s32 $0x8F2B, s0  }
0x35: {  	[sflag:s0] =	ssyncadd.remote.s32 $0x1  }
0x36: {  	_ =	sfence.sel $0xFFFF  }
0x37: {  	[dreg:$0x0] =	wrdreg $0xFFFFFFFF;
	(pc) =	sbr.abs _section_cstart, $3  }
0x38: {  	[dreg:$0x1] =	wrdreg $0xFFFFFFFF  }
0x39: {  	_ =	task.clear_ibuf [dreg:s7], $0x2FFFF;
	_ =	strace $0x9FFFFFFF  }
0x3a: {  	(tm) =	ssettm $0x7FFFFFFF  }
0x3b: {  	_ =	shalt  }
tec
execute0_lowered:
.L_overlay_start_1:
0x0: {  	(tag) =	ssettag $0x1  }
0x1: {  	s0 =	srdreg.scid  }
0x2: {  	s1 =	sshll.u32 s0, $0x4  }
0x3: {  	s0 =	stileid.u32;
	s1 =	sand.u32 $0x10, s1  }
0x4: {  	s1 =	sor.u32 s0, s1  }
0x5: {  	s6 =	rddreg [dreg:$0x0];
	s4 =	simm.s32 $0x1;
	s2 =	sshll.u32 s1, $0x7  }
0x6: {  	s7 =	simm.s32 $0x2;
	s12 =	simm.s32 $0x0;
	s1 =	ssub.s32 $0x2000, s2  }
0x7: {  	s8 =	simm.s32 $0x10000;
	s13 =	simm.s32 $0x0;
	s3 =	sand.u32 $0xF80, s1  }
0x8: {  	s9 =	simm.s32 $0x0;
	s5 =	sshrl.u32 s1, $0xC;
	p0 =	sne.s32 s3, $0x0  }
.Ltmp0:
0x9: {  	s1 =	rddreg [dreg:$0x2];
	s4 =	simm.s32 @!p0 $0x0;
	(pc) =	sbr.rel .LBB1_1-.Ltmp0, $4  }
0xa: {  	s11 =	simm.s32 $0x0;
	s3 =	rddreg [dreg:$0x1];
	s5 =	sadd.s32 s4, s5  }
0xb: {  	_ =	strace $0x80000047;
	s4 =	simm.s32 $0x1;
	s5 =	smul.u32 $0xC8, s5  }
0xc: {  	s6 =	sadd.s32 $0x96A800, s6;
	s10 =	smov.u32 s2;
	[sflag:s4] =	ssyncpa.u1 $0x0  }
0xd: {  	p0 =	por $0x0, $0x0;
	[sflag:s7] =	ssyncpa.u1 $0x0;
	s7 =	sor.u32 $0x1, s5  }
.LBB1_4:
0xe: {  	s16 =	sshll.u32 s13, $0x3;
	s17 =	sand.u32 $0x78, s13  }
0xf: {  	s30 =	sand.u32 $0x7C00, s13;
	s12 =	sshll.u32 s12, $0xF;
	s16 =	sand.u32 $0x1C00, s16  }
0x10: {  	s31 =	sand.u32 $0x7, s13;
	s16 =	sor.u32 s17, s16;
	s17 =	sadd.s32 s3, s30  }
0x11: {  	s13 =	sshll.u32 s31, $0x12;
	s16 =	sshrl.u32 s16, $0x3;
	s12 =	sadd.s32 s12, s17  }
0x12: {  	[tilespmem:s15+$0x0 ss:$0x81] =	vst.msk $0xffff, v0;
	s13 =	sor.u32 $0x400, s13;
	s12 =	sadd.s32 s16, s12  }
0x13: {  	[hbm4b:s12+s13] =	stream.strided.scatter [tilespmem:s14], [sflag:$0x2], $0x1000, s8, s13, $0x20;
	[tilespmem:$0x4040] =	vst v63  }
.LBB1_5:
0x14: {  	s14 =	sadd.s32 $0x1, s9  }
0x15: {  	s12 =	sadd.s32 $0x1000, s10;
	s16 =	smov.u32 s10;
	p2 =	sgt.s32 s14, $0xC7  }
0x16: {  	s16 =	smov.u32 @p2 s12  }
0x17: {  	s14 =	simm.s32 @p2 $0x0;
	p2 =	sgt.s32 s16, $0x1FFF  }
0x18: {  	s16 =	smov.u32 @p2 s2;
	p2 =	sne.s32 s11, s7  }
.Ltmp1:
0x19: {  	p1 =	slt.u32 s11, $0x2;
	(pc) =	sbr.rel @!p2 .LBB1_6-.Ltmp1, $4  }
0x1a: {  	s15 =	simm.s32 @!p1 $0x2  }
0x1b: {  	s13 =	smov.u32 s10;
	p0 =	por !p0, !p0;
	_ =	swait.ge @!p1 [sflag:s15], $0x1000  }
0x1c: {  	s12 =	smov.u32 s9;
	[sflag:s15] =	ssyncset.done @!p1 $0x0;
	s9 =	smov.u32 s14  }
0x1d: {  	s11 =	sadd.s32 $0x1, s11;
	[sflag:s15] =	ssyncadd.s32 @!p1 $0xFFFFF000;
	s10 =	smov.u32 s16  }
.LBB1_1:
0x1e: {  	p1 =	sge.u32 s11, s5  }
0x1f: {  	s14 =	sand.u32 @!p1 $0x1FFFFFF, s9  }
0x20: {  	s15 =	smulhi.u32 @!p1 $0x147AE15, s14;
	_ =	sdelay $0x1  }
0x21: {  	s15 =	smul.u32 @!p1 $0xC8, s15  }
0x22: {  	s16 =	sxor.u32 @!p1 $0xFFFFFFFF, s11;
	s17 =	smul.u32 @!p1 $0xC80, s10  }
0x23: {  	s31 =	sadd.s32 $0xFFFFFFFF, s11;
	s16 =	sshll.u32 @!p1 s16, $0xC;
	s14 =	ssub.s32 @!p1 s14, s15  }
0x24: {  	s15 =	sand.u32 @!p1 $0x1000, s16;
	s16 =	sadd.s32 @!p1 s6, s17;
	s14 =	sshll.u32 @!p1 s14, $0x4  }
0x25: {  	s17 =	simm.s32 @!p1 $0x6400;
	s14 =	sadd.s32 @!p1 s14, s16;
	s16 =	simm.s32 @!p1 $0x20  }
0x26: {  	[tilespmem:s15], [sflag:$0x1] =	stream.strided.gather @!p1 [hbm4b:s14+s16], $0x1000, s17, s16, $0x38;
	[tilespmem:$0x4040] =	vst v63  }
0x27: {  	p1 =	sge.u32 s31, s5  }
.Ltmp2:
0x28: {  	_ = 	snop;
	(pc) =	sbr.rel @p1 .LBB1_5-.Ltmp2, $1  }
0x29: {  	_ =	sdelay $0x3  }
0x2a: {  	s14 =	simm.s32 $0x1  }
0x2b: {  	_ =	swait.ge [sflag:s4], $0x1000;
	s14 =	simm.s32 @!p0 $0x0  }
0x2c: {  	[sflag:s4] =	ssyncset.done $0x0;
	s15 =	sshll.u32 s14, $0xC  }
0x2d: {  	[sflag:s4] =	ssyncadd.s32 $0xFFFFF000;
	s18 =	sor.u32 $0x10, s15  }
0x2e: {  	s14 =	smul.u32 $0x4080, s14;
	v1 =	vld [tilespmem:s18+$0x0]  }
0x2f: {  	s30 =	sand.u32 $0x1, s11;
	v0 =	vld [tilespmem:s18+$0xFFFFFFF0]  }
0x30: {  	s15 =	smul.u32 $0x4080, s30;
	s14 =	sshrl.u32 s14, $0x2  }
0x31: {  	s16 =	sor.u32 $0x2000, s14  }
0x32: {  	s31 =	sshrl.u32 s15, $0x2;
	s15 =	sadd.s32 $0x0, s16  }
0x33: {  	s17 =	simm.s32 $0x4;
	s18 =	sadd.s32 $0x20, s18;
	s14 =	sor.u32 $0x2000, s31;
	[tilespmem:s15+$0x810 ss:$0x81] =	vst.msk $0xffff, v1  }
.LBB1_3:
0x34: {  	v1 =	vld [tilespmem:s18+$0x0];
	p1 =	sne.s32 s17, $0x1FC;
	[tilespmem:s15+$0x0 ss:$0x81] =	vst.msk $0xffff, v0;
	s15 =	smov.u32 s17;
	s17 =	sadd.s32 $0x4, s17  }
.Ltmp3:
0x35: {  	v0 =	vld [tilespmem:s18+$0xFFFFFFF0];
	(pc) =	sbr.rel @p1 .LBB1_3-.Ltmp3, $4  }
0x36: {  	_ = 	snop  }
0x37: {  	s15 =	sshra.s32 s15, $0x2  }
0x38: {  	s15 =	sadd.s32 s15, s16  }
0x39: {  	s18 =	sadd.s32 $0x20, s18;
	[tilespmem:s15+$0x810 ss:$0x81] =	vst.msk $0xffff, v1  }
.Ltmp4:
0x3a: {  	_ = 	snop;
	(pc) =	sbr.rel .LBB1_4-.Ltmp4, $1  }
0x3b: {  	_ =	sdelay $0x3  }
.LBB1_6:
0x3c: {  	_ =	sfence.sel $0x180000  }
0x3d: {  	s2 =	simm.s32 $0x1;
	[bflag:$0x0] =	sbarrier.arrive $0xFFFF  }
0x3e: {  	s31 =	simm.s32 $0x2;
	[sflag:s2] =	ssyncpa.u1 $0x1  }
0x3f: {  	[sflag:s31] =	ssyncpa.u1 $0x1  }
0x40: {  	p0 =	sne.s32 s0, $0x0;
	_ =	strace $0x90000047  }
0x41: {  	s0 =	sadd.s32 @!p0 $0x100000, s1;
	[bflag:$0x2] =	sbarrier.arrive $0xFFFF  }
0x42: {  	[sflag:s0] =	ssyncadd.tile.s32 @!p0 $0x1;
	_ =	shalt  }
.Lfunc_end1:
_tile_overlayer_lowered:
.L_overlay_start_2:
0x43: {  	(tag) =	ssettag $0x2  }
0x44: {  	s0 =	rddreg [dreg:$0x0];
	s2 =	stileid.u32  }
0x45: {  	s1 =	rddreg [dreg:$0x1];
	p0 =	sne.s32 s2, $0x0  }
0x46: {  	s3 =	rddreg [dreg:$0x2];
	[bflag:$0x3] =	sbarrier.arrive $0xFFFF;
	s2 =	simm.s32 @!p0 $0x1C01  }
0x47: {  	[timem:s3], [sflag:s2] =	dma.local @!p0 [hbm:s0], s1  }
0x48: {  	s0 =	simm.s32 @!p0 $0x1  }
0x49: {  	_ =	swait.ge @!p0 [sflag:s0], s1  }
0x4a: {  	s1 =	ssub.s32 @!p0 $0x0, s1;
	[sflag:s0] =	ssyncset.done @!p0 $0x0  }
0x4b: {  	[sflag:s0] =	ssyncadd.s32 @!p0 s1  }
0x4c: {  	[bflag:$0x3] =	sbarrier.arrive $0xFFFF  }
0x4d: {  	_ =	shalt  }

</sc_bundles>
